<compile_context>
chip_gen: v7x
topology: tpu7x:2x2x1
jax: 0.10.2.dev20260603
libtpu: 0.0.44.dev20260713+nightly
codegen_flags: <defaults>
</compile_context>

<pallas_src>
import jax
import jax.numpy as jnp
from jax import lax
from jax.experimental import pallas as pl
from jax.experimental.pallas import tpu as pltpu
from jax.experimental.pallas import tpu_sc as plsc

_NCELLS = 14
_TPTS = 100000
_BATCH = 16384
_LANES = 16
_BH = _BATCH // 2
_QTR = _BH // 2
_UNROLL = 8


def _gather_body(released_hbm, if_hbm, out_hbm, row_v, buf_v, out_v, sem):
    c = lax.axis_index("c")
    s = lax.axis_index("s")
    wid = s * 2 + c

    @pl.when(wid < 2 * _NCELLS)
    def _():
        cell = wid // 2
        bh = wid % 2
        with jax.named_scope("dma_wait"):
            row_cp = pltpu.async_copy(released_hbm.at[cell], row_v, sem)
            idx_cp = pltpu.async_copy(if_hbm.at[pl.ds(bh * _BH, _BH)], buf_v, sem)
            row_cp.wait()
            idx_cp.wait()

        with jax.named_scope("gather"):
            @plsc.parallel_loop(0, _BH, step=_LANES, unroll=_UNROLL)
            def _gather(off):
                idx = plsc.bitcast(buf_v[pl.ds(off, _LANES)], jnp.int32)
                out_v[pl.ds(off, _LANES)] = plsc.load_gather(row_v, [idx])

        with jax.named_scope("out_dma"):
            pltpu.sync_copy(out_v, out_hbm.at[cell].at[pl.ds(bh * _BH, _BH)])


def kernel(released, i):
    mesh = plsc.VectorSubcoreMesh(
        core_axis_name="c", subcore_axis_name="s", num_cores=2, num_subcores=16
    )
    f = pl.kernel(
        _gather_body,
        out_type=jax.ShapeDtypeStruct((_NCELLS, _BATCH), jnp.float32),
        mesh=mesh,
        compiler_params=pltpu.CompilerParams(
            needs_layout_passes=False,
            disable_bounds_checks=True,
            skip_device_barrier=True,
        ),
        scratch_types=[
            pltpu.VMEM((_TPTS,), jnp.float32),
            pltpu.VMEM((_BH,), jnp.float32),
            pltpu.VMEM((_BH,), jnp.float32),
            pltpu.SemaphoreType.DMA,
        ],
    )
    i_f = lax.bitcast_convert_type(i.astype(jnp.int32), jnp.float32)
    return f(released, i_f)

# --- scband reference (transcript-rebuilt; emitter-appended) ---
"""Pipeline reference for scband-dummy-bipolar-cell-82841329205929 (READ-ONLY COPY).

The authoritative reference and input builder live on the scoring server;
editing this copy changes nothing except your own understanding.
"""

import jax, jax.numpy as jnp
import numpy as np

TPTS = 100000
NCELLS = 14
BATCH = 16384


def setup_inputs(seed: int = 0) -> dict:
    key = jax.random.key(seed)
    k1, k2 = jax.random.split(key)
    # learned (frozen) parameter: released signal, shape (14, tpts)
    released = jax.random.normal(k1, (NCELLS, TPTS), dtype=jnp.float32)
    # time indices to look up
    i = jax.random.randint(k2, (BATCH,), 0, TPTS, dtype=jnp.int64) if jax.config.jax_enable_x64 else jax.random.randint(k2, (BATCH,), 0, TPTS, dtype=jnp.int32)
    return {"released": released, "i": i}


def reference(released, i):
    # DummyBipolarCell.forward: return self.released[:, i]
    # gather along axis=1 -> output shape (14, BATCH)
    return jnp.take(released, i, axis=1)

if __name__ == "__main__":
    import jax
    _d = setup_inputs()
    print(jax.jit(kernel)(*tuple(_d.values())))

</pallas_src>

<mosaic_0001>
#map = affine_map<(d0, d1) -> (0, 0)>
#map1 = affine_map<(d0, d1) -> (0)>
module attributes {stable_mosaic.version = 14 : i64} {
  func.func @_gather_body(%arg0: i32, %arg1: i32, %arg2: memref<14x100000xf32, #tpu.memory_space<hbm>>, %arg3: memref<16384xf32, #tpu.memory_space<hbm>>, %arg4: memref<14x16384xf32, #tpu.memory_space<hbm>>, %arg5: memref<100000xf32, #tpu.memory_space<vmem>>, %arg6: memref<8192xf32, #tpu.memory_space<vmem>>, %arg7: memref<8192xf32, #tpu.memory_space<vmem>>, %arg8: memref<!tpu.dma_semaphore, #tpu.memory_space<semaphore_mem>>) attributes {dimension_semantics = [#tpu.dimension_semantics<core_parallel>, #tpu.dimension_semantics<subcore_parallel>], iteration_bounds = array<i64: 2, 16>, scalar_prefetch = 0 : i64, scratch_operands = 4 : i64, tpu.core_type = #tpu.core_type<sc_vector_subcore>, window_params = [{transform_indices = #map}, {transform_indices = #map1}, {transform_indices = #map}]} {
    %mul3A = arith.constant 2 : i32
    %mul3A_0 = arith.muli %arg1, %mul3A : i32
    %add3A = arith.addi %mul3A_0, %arg0 : i32
    %lt3A = arith.constant 28 : i32
    %lt3A_1 = arith.cmpi slt, %add3A, %lt3A : i32
    %convert_element_type3A = arith.extui %lt3A_1 : i1 to i32
    %cond3A = arith.constant 0 : i32
    %cond3A_2 = arith.cmpi ne, %convert_element_type3A, %cond3A : i32
    scf.if %cond3A_2 {
      %jit3A = arith.constant 2 : i32
      %div3A = arith.divsi %add3A, %jit3A : i32
      %sign3A = arith.constant 0 : i32
      %sign3A_3 = arith.cmpi sgt, %add3A, %sign3A : i32
      %sign3A_4 = arith.extui %sign3A_3 : i1 to i32
      %sign3A_5 = arith.constant 0 : i32
      %sign3A_6 = arith.cmpi slt, %add3A, %sign3A_5 : i32
      %sign3A_7 = arith.extui %sign3A_6 : i1 to i32
      %sign3A_8 = arith.subi %sign3A_4, %sign3A_7 : i32
      %sign3A_9 = arith.constant 0 : i32
      %sign3A_10 = arith.cmpi sgt, %jit3A, %sign3A_9 : i32
      %sign3A_11 = arith.extui %sign3A_10 : i1 to i32
      %sign3A_12 = arith.constant 0 : i32
      %sign3A_13 = arith.cmpi slt, %jit3A, %sign3A_12 : i32
      %sign3A_14 = arith.extui %sign3A_13 : i1 to i32
      %sign3A_15 = arith.subi %sign3A_11, %sign3A_14 : i32
      %ne3A = arith.cmpi ne, %sign3A_8, %sign3A_15 : i32
      %rem3A = arith.remsi %add3A, %jit3A : i32
      %ne3A_16 = arith.constant 0 : i32
      %ne3A_17 = arith.cmpi ne, %rem3A, %ne3A_16 : i32
      %and3A = arith.andi %ne3A, %ne3A_17 : i1
      %sub3A = arith.constant 1 : i32
      %sub3A_18 = arith.subi %div3A, %sub3A : i32
      %select_n3A = arith.select %and3A, %sub3A_18, %div3A : i32
      %jit3A_19 = arith.constant 2 : i32
      %eq3A = arith.constant 0 : i32
      %eq3A_20 = arith.cmpi eq, %jit3A_19, %eq3A : i32
      %jit3A_21 = arith.constant 1 : i32
      %select_n3A_22 = arith.select %eq3A_20, %jit3A_21, %jit3A_19 : i32
      %rem3A_23 = arith.remsi %add3A, %select_n3A_22 : i32
      %ne3A_24 = arith.constant 0 : i32
      %ne3A_25 = arith.cmpi ne, %rem3A_23, %ne3A_24 : i32
      %lt3A_26 = arith.constant 0 : i32
      %lt3A_27 = arith.cmpi slt, %rem3A_23, %lt3A_26 : i32
      %lt3A_28 = arith.constant 0 : i32
      %lt3A_29 = arith.cmpi slt, %select_n3A_22, %lt3A_28 : i32
      %ne3A_30 = arith.xori %lt3A_27, %lt3A_29 : i1
      %and3A_31 = arith.andi %ne3A_30, %ne3A_25 : i1
      %add3A_32 = arith.addi %rem3A_23, %select_n3A_22 : i32
      %select_n3A_33 = arith.select %and3A_31, %add3A_32, %rem3A_23 : i32
      "tpu.trace_start"() <{level = 10 : i32, message = "dma_wait"}> : () -> ()
      %dma_start3A = arith.constant 0 : i32
      %dma_start3A_34 = tpu.memref_slice %arg2[%select_n3A, %dma_start3A] : memref<14x100000xf32, #tpu.memory_space<hbm>> -> memref<1x100000xf32, #tpu.memory_space<hbm>>
      %dma_start3A_35 = tpu.memref_squeeze %dma_start3A_34 : memref<1x100000xf32, #tpu.memory_space<hbm>> -> memref<100000xf32, #tpu.memory_space<hbm>>
      %dma_start3A_36 = arith.constant 0 : i32
      %dma_start3A_37 = tpu.memref_slice %arg2[%select_n3A, %dma_start3A_36] : memref<14x100000xf32, #tpu.memory_space<hbm>> -> memref<1x100000xf32, #tpu.memory_space<hbm>>
      %dma_start3A_38 = tpu.memref_squeeze %dma_start3A_37 : memref<1x100000xf32, #tpu.memory_space<hbm>> -> memref<100000xf32, #tpu.memory_space<hbm>>
      tpu.enqueue_dma source(%dma_start3A_38 : memref<100000xf32, #tpu.memory_space<hbm>>) target(%arg5 : memref<100000xf32, #tpu.memory_space<vmem>>) target_semaphore(%arg8 : memref<!tpu.dma_semaphore, #tpu.memory_space<semaphore_mem>>)
      %mul3A_39 = arith.constant 8192 : i32
      %mul3A_40 = arith.muli %select_n3A_33, %mul3A_39 : i32
      %dma_start3A_41 = tpu.memref_slice %arg3[%mul3A_40] : memref<16384xf32, #tpu.memory_space<hbm>> -> memref<8192xf32, #tpu.memory_space<hbm>>
      %dma_start3A_42 = tpu.memref_slice %arg3[%mul3A_40] : memref<16384xf32, #tpu.memory_space<hbm>> -> memref<8192xf32, #tpu.memory_space<hbm>>
      tpu.enqueue_dma source(%dma_start3A_42 : memref<8192xf32, #tpu.memory_space<hbm>>) target(%arg6 : memref<8192xf32, #tpu.memory_space<vmem>>) target_semaphore(%arg8 : memref<!tpu.dma_semaphore, #tpu.memory_space<semaphore_mem>>)
      %dma_wait3A = arith.constant 0 : i32
      %dma_wait3A_43 = tpu.memref_slice %arg2[%select_n3A, %dma_wait3A] : memref<14x100000xf32, #tpu.memory_space<hbm>> -> memref<1x100000xf32, #tpu.memory_space<hbm>>
      %dma_wait3A_44 = tpu.memref_squeeze %dma_wait3A_43 : memref<1x100000xf32, #tpu.memory_space<hbm>> -> memref<100000xf32, #tpu.memory_space<hbm>>
      %dma_wait3A_45 = arith.constant 0 : i32
      %dma_wait3A_46 = tpu.memref_slice %arg2[%select_n3A, %dma_wait3A_45] : memref<14x100000xf32, #tpu.memory_space<hbm>> -> memref<1x100000xf32, #tpu.memory_space<hbm>>
      %dma_wait3A_47 = tpu.memref_squeeze %dma_wait3A_46 : memref<1x100000xf32, #tpu.memory_space<hbm>> -> memref<100000xf32, #tpu.memory_space<hbm>>
      tpu.wait_dma2 semaphore(%arg8 : memref<!tpu.dma_semaphore, #tpu.memory_space<semaphore_mem>>) src(%dma_wait3A_47 : memref<100000xf32, #tpu.memory_space<hbm>>) dst(%arg5 : memref<100000xf32, #tpu.memory_space<vmem>>)
      %dma_wait3A_48 = tpu.memref_slice %arg3[%mul3A_40] : memref<16384xf32, #tpu.memory_space<hbm>> -> memref<8192xf32, #tpu.memory_space<hbm>>
      %dma_wait3A_49 = tpu.memref_slice %arg3[%mul3A_40] : memref<16384xf32, #tpu.memory_space<hbm>> -> memref<8192xf32, #tpu.memory_space<hbm>>
      tpu.wait_dma2 semaphore(%arg8 : memref<!tpu.dma_semaphore, #tpu.memory_space<semaphore_mem>>) src(%dma_wait3A_49 : memref<8192xf32, #tpu.memory_space<hbm>>) dst(%arg6 : memref<8192xf32, #tpu.memory_space<vmem>>)
      %parallel_loop3A = arith.constant 0 : i32
      %parallel_loop3A_50 = arith.constant 8192 : i32
      %parallel_loop3A_51 = arith.constant 16 : i32
      "tpu.trace_stop"() : () -> ()
      "tpu.trace_start"() <{level = 10 : i32, message = "gather"}> : () -> ()
      scf.for %parallel_loop3A_54 = %parallel_loop3A to %parallel_loop3A_50 step %parallel_loop3A_51  : i32 {
        %parallel_loop3A_55 = arith.index_cast %parallel_loop3A_54 : i32 to index
        %parallel_loop3A_56 = tpu.vector_load %arg6[%parallel_loop3A_55] {strides = array<i32>} : memref<8192xf32, #tpu.memory_space<vmem>>, vector<16xf32>,
        %parallel_loop3A_57 = vector.bitcast %parallel_loop3A_56 : vector<16xf32> to vector<16xi32>
        %parallel_loop3A_58 = tpu.vector_load_idx %arg5[%parallel_loop3A_57] : memref<100000xf32, #tpu.memory_space<vmem>>[vector<16xi32>], vector<16xf32>,
        %parallel_loop3A_59 = arith.index_cast %parallel_loop3A_54 : i32 to index
        %parallel_loop3A_60 = tpu.vector_load %arg7[%parallel_loop3A_59] {strides = array<i32>} : memref<8192xf32, #tpu.memory_space<vmem>>, vector<16xf32>,
        tpu.vector_store %arg7[%parallel_loop3A_59], %parallel_loop3A_58 {strides = array<i32>} : memref<8192xf32, #tpu.memory_space<vmem>>, vector<16xf32>,
      } {sc.loop_unroll_factor = 8 : i64, sc.parallel_access}
      "tpu.trace_stop"() : () -> ()
      "tpu.trace_start"() <{level = 10 : i32, message = "out_dma"}> : () -> ()
      %mul3A_52 = arith.constant 8192 : i32
      %mul3A_53 = arith.muli %select_n3A_33, %mul3A_52 : i32
      "tpu.region"() ({
        %run_scoped3A = tpu.sem_alloc : memref<!tpu.dma_semaphore, #tpu.memory_space<semaphore_mem>>
        %dma_start3A_54 = arith.constant 0 : i32
        %dma_start3A_55 = tpu.memref_slice %arg4[%select_n3A, %dma_start3A_54] : memref<14x16384xf32, #tpu.memory_space<hbm>> -> memref<1x16384xf32, #tpu.memory_space<hbm>>
        %dma_start3A_56 = tpu.memref_squeeze %dma_start3A_55 : memref<1x16384xf32, #tpu.memory_space<hbm>> -> memref<16384xf32, #tpu.memory_space<hbm>>
        %dma_start3A_57 = tpu.memref_slice %dma_start3A_56[%mul3A_53] : memref<16384xf32, #tpu.memory_space<hbm>> -> memref<8192xf32, #tpu.memory_space<hbm>>
        %dma_start3A_58 = arith.constant 0 : i32
        %dma_start3A_59 = tpu.memref_slice %arg4[%select_n3A, %dma_start3A_58] : memref<14x16384xf32, #tpu.memory_space<hbm>> -> memref<1x16384xf32, #tpu.memory_space<hbm>>
        %dma_start3A_60 = tpu.memref_squeeze %dma_start3A_59 : memref<1x16384xf32, #tpu.memory_space<hbm>> -> memref<16384xf32, #tpu.memory_space<hbm>>
        %dma_start3A_61 = tpu.memref_slice %dma_start3A_60[%mul3A_53] : memref<16384xf32, #tpu.memory_space<hbm>> -> memref<8192xf32, #tpu.memory_space<hbm>>
        tpu.enqueue_dma source(%arg7 : memref<8192xf32, #tpu.memory_space<vmem>>) target(%dma_start3A_61 : memref<8192xf32, #tpu.memory_space<hbm>>) target_semaphore(%run_scoped3A : memref<!tpu.dma_semaphore, #tpu.memory_space<semaphore_mem>>)
        %dma_wait3A_62 = arith.constant 0 : i32
        %dma_wait3A_63 = tpu.memref_slice %arg4[%select_n3A, %dma_wait3A_62] : memref<14x16384xf32, #tpu.memory_space<hbm>> -> memref<1x16384xf32, #tpu.memory_space<hbm>>
        %dma_wait3A_64 = tpu.memref_squeeze %dma_wait3A_63 : memref<1x16384xf32, #tpu.memory_space<hbm>> -> memref<16384xf32, #tpu.memory_space<hbm>>
        %dma_wait3A_65 = tpu.memref_slice %dma_wait3A_64[%mul3A_53] : memref<16384xf32, #tpu.memory_space<hbm>> -> memref<8192xf32, #tpu.memory_space<hbm>>
        %dma_wait3A_66 = arith.constant 0 : i32
        %dma_wait3A_67 = tpu.memref_slice %arg4[%select_n3A, %dma_wait3A_66] : memref<14x16384xf32, #tpu.memory_space<hbm>> -> memref<1x16384xf32, #tpu.memory_space<hbm>>
        %dma_wait3A_68 = tpu.memref_squeeze %dma_wait3A_67 : memref<1x16384xf32, #tpu.memory_space<hbm>> -> memref<16384xf32, #tpu.memory_space<hbm>>
        %dma_wait3A_69 = tpu.memref_slice %dma_wait3A_68[%mul3A_53] : memref<16384xf32, #tpu.memory_space<hbm>> -> memref<8192xf32, #tpu.memory_space<hbm>>
        tpu.wait_dma2 semaphore(%run_scoped3A : memref<!tpu.dma_semaphore, #tpu.memory_space<semaphore_mem>>) src(%arg7 : memref<8192xf32, #tpu.memory_space<vmem>>) dst(%dma_wait3A_69 : memref<8192xf32, #tpu.memory_space<hbm>>)
        tpu.yield
      }) : () -> ()
      "tpu.trace_stop"() : () -> ()
    } else {
    }
    return
  }
}

</mosaic_0001>

<sc_bundles>
// kernel: kernel.3.cloned.1.call-start
scs
__scs_entry_jumppad:
0x0: {  	(pc) =	sbr.rel $0x88, $3  }
0x1: {  	(tag) =	ssettag $0x0;
	lr =	simm.s32 $0x1  }
0x2: {  	[smem:$0x3F9F] =	sst lr;
	_ =	strace $0xD0000000  }
0x3: {  	_ = 	snop  }
0x4: {  	_ = 	snop  }
0x5: {  	_ = 	snop  }
0x6: {  	_ = 	snop  }
0x7: {  	_ = 	snop  }
__scs_overlays_trampoline_lowered:
0x8: {  	[smem:$0x3FAE] =	sst s0  }
0x9: {  	[smem:$0x3FAF] =	sst s1  }
0xa: {  	[smem:$0x3FB0] =	sst s2  }
0xb: {  	[smem:$0x3FB1] =	sst s3  }
0xc: {  	[smem:$0x3FB2] =	sst s4  }
0xd: {  	[smem:$0x3FB3] =	sst s5  }
0xe: {  	[smem:$0x3FB4] =	sst s6  }
0xf: {  	[smem:$0x3FB5] =	sst s7  }
0x10: {  	[smem:$0x3FB6] =	sst s8  }
0x11: {  	[smem:$0x3FB7] =	sst s9;
	s0 =	simm.s32 @!p0 $0x0  }
0x12: {  	s1 =	sld [smem:$0x3F9D];
	s0 =	simm.s32 @p0 $0x1  }
0x13: {  	[smem:$0x3FB8] =	sst s0;
	s0 =	simm.s32 @!p1 $0x0  }
0x14: {  	s2 =	sld [smem:$0x3F9C];
	s0 =	simm.s32 @p1 $0x1  }
0x15: {  	[smem:$0x3FB9] =	sst s0;
	s0 =	simm.s32 @!p2 $0x0  }
0x16: {  	s3 =	sld [smem:$0x3FDB];
	s0 =	simm.s32 @p2 $0x1  }
0x17: {  	s4 =	simm.s32 $0x1BF5;
	[smem:$0x3FBB] =	sst s0  }
0x18: {  	s0 =	sld [smem:$0x3F9E];
	_ =	swait.ge [sflag:s4], $0x0  }
0x19: {  	s7 =	sld [smem:$0x3F9F]  }
0x1a: {  	s8 =	sadd.s32 $0xFFFFE003, lr  }
0x1b: {  	s9 =	sadd.s32 $0xFFFFFEF7, lr;
	s5 =	simm.s32 $0xFFFFFFFF;
	p2 =	slt.u32 s8, $0xFFFFF086  }
0x1c: {  	p1 =	slt.u32 s9, $0xF7A;
	s5 =	simm.s32 @!p2 $0x0  }
0x1d: {  	s5 =	simm.s32 @p1 $0x1;
	p0 =	seq.s32 s7, s2  }
0x1e: {  	s7 =	smul.u32 @!p0 $0xF7A, s2;
	p2 =	seq.s32 @!p0 s5, $0x0  }
0x1f: {  	s9 =	smul.u32 $0xF7A, s1;
	s8 =	simm.s32 @!p0 $0x1BF5;
	p2 =	por !p2, p0  }
0x20: {  	[sflag:s8] =	ssyncset.s32 @!p0 $0xFFFFF086;
	s6 =	sadd.s32 @!p0 s3, s7;
	s7 =	simm.s32 @!p0 $0x108  }
0x21: {  	s3 =	sadd.s32 s3, s9;
	s6 =	sadd.s32 @!p0 $0x88, s6;
	s7 =	simm.s32 @p2 $0x1082  }
0x22: {  	[simem:s7], [sflag:s8] =	dma.local @!p0 [hbm:s6], $0xF7A  }
0x23: {  	s9 =	sor.u32 $0xD0000000, s2;
	s6 =	simm.s32 $0x108;
	_ =	swait.ge @!p0 [sflag:s8], $0x0  }
0x24: {  	s3 =	sadd.s32 $0x88, s3;
	s6 =	simm.s32 @!p1 $0x1082;
	[sflag:s4] =	ssyncset.s32 $0xFFFFF086  }
0x25: {  	[simem:s6], [sflag:s4] =	dma.local [hbm:s3], $0xF7A  }
0x26: {  	[smem:$0x3F9F] =	sst s1;
	(tag) =	ssettag s2;
	_ =	strace s9  }
0x27: {  	s1 =	sld [smem:$0x3FAF]  }
0x28: {  	s2 =	sld [smem:$0x3FB0]  }
0x29: {  	s4 =	sld [smem:$0x3FB2]  }
0x2a: {  	p0 =	seq.s32 s5, $0x0;
	s5 =	sld [smem:$0x3FB3]  }
0x2b: {  	s6 =	sld [smem:$0x3FB4]  }
0x2c: {  	s7 =	sld [smem:$0x3FB5]  }
0x2d: {  	s3 =	simm.s32 $0x108;
	s8 =	sld [smem:$0x3FB6]  }
0x2e: {  	s3 =	simm.s32 @!p0 $0x1082;
	s9 =	sld [smem:$0x3FB7]  }
0x2f: {  	lr =	sadd.s32 s0, s3;
	s0 =	sld [smem:$0x3FAE]  }
0x30: {  	s3 =	sld [smem:$0x3FB1]  }
0x31: {  	[smem:$0x3FBA] =	sst s10  }
0x32: {  	s10 =	sld [smem:$0x3FB8];
	_ =	sdelay $0x3  }
0x33: {  	p0 =	seq.s32 s10, $0x1;
	s10 =	sld [smem:$0x3FBA];
	_ =	sdelay $0x3  }
0x34: {  	[smem:$0x3FBA] =	sst s10  }
0x35: {  	s10 =	sld [smem:$0x3FB9];
	_ =	sdelay $0x3  }
0x36: {  	p1 =	seq.s32 s10, $0x1;
	s10 =	sld [smem:$0x3FBA];
	_ =	sdelay $0x3  }
0x37: {  	[smem:$0x3FBA] =	sst s10  }
0x38: {  	s10 =	sld [smem:$0x3FBB]  }
0x39: {  	_ = 	snop;
	(pc) =	sbr.ind lr, $3  }
0x3a: {  	_ = 	snop  }
0x3b: {  	_ = 	snop  }
0x3c: {  	p2 =	seq.s32 s10, $0x1;
	s10 =	sld [smem:$0x3FBA]  }
0x3d: {  	_ =	shalt  }
0x3e: {  	_ =	shalt  }
0x3f: {  	_ =	shalt  }
0x40: {  	_ =	shalt  }
0x41: {  	_ =	shalt  }
0x42: {  	_ =	shalt  }
0x43: {  	_ =	shalt  }
0x44: {  	_ =	shalt  }
0x45: {  	_ =	shalt  }
0x46: {  	_ =	shalt  }
0x47: {  	_ =	shalt  }
0x48: {  	_ =	shalt  }
0x49: {  	_ =	shalt  }
0x4a: {  	_ =	shalt  }
0x4b: {  	_ =	shalt  }
0x4c: {  	_ =	shalt  }
0x4d: {  	_ =	shalt  }
0x4e: {  	_ =	shalt  }
0x4f: {  	_ =	shalt  }
0x50: {  	_ =	shalt  }
0x51: {  	_ =	shalt  }
0x52: {  	_ =	shalt  }
0x53: {  	_ =	shalt  }
0x54: {  	_ =	shalt  }
0x55: {  	_ =	shalt  }
0x56: {  	_ =	shalt  }
0x57: {  	_ =	shalt  }
0x58: {  	_ =	shalt  }
0x59: {  	_ =	shalt  }
0x5a: {  	_ =	shalt  }
0x5b: {  	_ =	shalt  }
0x5c: {  	_ =	shalt  }
0x5d: {  	_ =	shalt  }
0x5e: {  	_ =	shalt  }
0x5f: {  	_ =	shalt  }
0x60: {  	_ =	shalt  }
0x61: {  	_ =	shalt  }
0x62: {  	_ =	shalt  }
0x63: {  	_ =	shalt  }
0x64: {  	_ =	shalt  }
0x65: {  	_ =	shalt  }
0x66: {  	_ =	shalt  }
0x67: {  	_ =	shalt  }
0x68: {  	_ =	shalt  }
0x69: {  	_ =	shalt  }
0x6a: {  	_ =	shalt  }
0x6b: {  	_ =	shalt  }
0x6c: {  	_ =	shalt  }
0x6d: {  	_ =	shalt  }
0x6e: {  	_ =	shalt  }
0x6f: {  	_ =	shalt  }
0x70: {  	_ =	shalt  }
0x71: {  	_ =	shalt  }
0x72: {  	_ =	shalt  }
0x73: {  	_ =	shalt  }
0x74: {  	_ =	shalt  }
0x75: {  	_ =	shalt  }
0x76: {  	_ =	shalt  }
0x77: {  	_ =	shalt  }
0x78: {  	_ =	shalt  }
0x79: {  	_ =	shalt  }
0x7a: {  	_ =	shalt  }
0x7b: {  	_ =	shalt  }
0x7c: {  	_ =	shalt  }
0x7d: {  	_ =	shalt  }
0x7e: {  	_ =	shalt  }
0x7f: {  	_ =	shalt  }
0x80: {  	_ =	shalt  }
0x81: {  	_ =	shalt  }
0x82: {  	_ =	shalt  }
0x83: {  	_ =	shalt  }
0x84: {  	_ =	shalt  }
0x85: {  	_ =	shalt  }
0x86: {  	_ =	shalt  }
0x87: {  	_ =	shalt  }
.Lfunc_end0:
.L_simem_size_0:
called_computation_lowered:
.L_overlay_start_0:
0x88: {  	s2 =	sld [smem:$0x3FD9]  }
0x89: {  	s3 =	sld [smem:$0x3FFE];
	_ =	sdelay $0x1  }
0x8a: {  	s1 =	srdreg.scid  }
0x8b: {  	s0 =	sand.u32 $0x1, s1  }
0x8c: {  	s17 =	sshll.u32 s0, $0xA;
	s2 =	sadd.s32 s3, s2  }
0x8d: {  	s2 =	sadd.s32 s2, s17  }
0x8e: {  	[smem:$0x3FC6] =	sst s2  }
0x8f: {  	_ = 	snop  }
0x90: {  	s2 =	sld [smem:$0x3FC9]  }
0x91: {  	s18 =	sld [smem:$0x3FD0];
	(tm) =	ssettm $0x1  }
0x92: {  	s4 =	sld [smem:$0x3FFB];
	_ =	sdelay $0x3  }
0x93: {  	_ =	strace s4  }
0x94: {  	s4 =	sld [smem:$0x3FFC];
	_ =	sdelay $0x3  }
0x95: {  	_ =	strace s4  }
0x96: {  	s4 =	sld [smem:$0x3FFD];
	_ =	sdelay $0x3  }
0x97: {  	_ =	strace s4  }
0x98: {  	_ =	strace $0x8FFFFFFF  }
0x99: {  	s19 =	sld [smem:$0x3FDB];
	_ =	sdelay $0x1  }
0x9a: {  	s5 =	simm.s32 $_scs_section_size  }
0x9b: {  	s6 =	simm.s32 $_size__tile_overlayer_lowered;
	s7 =	simm.s32 $_tile_overlayer_lowered  }
0x9c: {  	s22 =	simm.s32 $0x1BFF;
	s21 =	sshll.u32 s7, $0x1;
	s4 =	sadd.s32 s5, s19  }
0x9d: {  	s8 =	simm.s32 $0x0;
	s20 =	sshll.u32 s6, $0x1;
	s6 =	sadd.s32 s21, s4  }
0x9e: {  	[timem:s8], [sflag:s22] =	dma.local [hbm:s6], s20  }
0x9f: {  	_ =	swait.ge [sflag:s22], s20  }
0xa0: {  	s5 =	ssub.s32 $0x0, s20;
	[sflag:s22] =	ssyncset.done $0x0  }
0xa1: {  	[sflag:s22] =	ssyncadd.s32 s5;
	_ =	sdelay $0x1  }
0xa2: {  	s23 =	simm.s32 $0x1B8B  }
0xa3: {  	_ =	swait.ge [sflag:s23], $0x1  }
0xa4: {  	[sflag:s23] =	ssyncset.done $0x0  }
0xa5: {  	s25 =	simm.s32 $0x1B8E;
	s24 =	sld [smem:$0x3FFE];
	[sflag:s23] =	ssyncadd.s32 $0xFFFFFFFF  }
0xa6: {  	s26 =	simm.s32 $execute0_lowered;
	[smem:$0x3FD2] =	sst s25  }
0xa7: {  	s6 =	sshll.u32 s26, $0x1;
	_ =	strace $0x80000046;
	[dreg:$0x1] =	wrdreg $0xFFFFFFFF  }
0xa8: {  	s28 =	simm.s32 $_size_execute0_lowered;
	s4 =	sadd.s32 s4, s6;
	[dreg:$0x0] =	wrdreg $0x0  }
0xa9: {  	s6 =	sshll.u32 s28, $0x1;
	[dreg:$0x2] =	wrdreg s4  }
0xaa: {  	[dreg:$0x3] =	wrdreg s6  }
0xab: {  	[dreg:$0x4] =	wrdreg $0xC0  }
0xac: {  	_ =	task [dreg:s8], $0x5FFFF  }
0xad: {  	[dreg:$0x1] =	wrdreg $0xFFFFFFFF  }
0xae: {  	[dreg:$0x0] =	wrdreg $0x60  }
0xaf: {  	[dreg:$0x2] =	wrdreg s2  }
0xb0: {  	[dreg:$0x3] =	wrdreg s24  }
0xb1: {  	[dreg:$0x4] =	wrdreg s18  }
0xb2: {  	[dreg:$0x5] =	wrdreg $0x9  }
0xb3: {  	_ =	task.clear_ibuf [dreg:s8], $0x6FFFF;
	_ =	strace $0x90000046  }
0xb4: {  	s29 =	simm.s32 $0x9;
	_ =	strace $0x8000004B  }
0xb5: {  	_ =	swait.ge [sflag:s29], $0x1  }
0xb6: {  	[sflag:s29] =	ssyncadd.s32 $0xFFFFFFFF  }
0xb7: {  	_ =	strace $0x9000004B  }
0xb8: {  	_ =	sfence  }
0xb9: {  	s30 =	sld [smem:$0x0];
	_ =	sdelay $0x2  }
0xba: {  	s31 =	sshll.u32 s1, $0xD;
	s1 =	sshrl.u32 s1, $0x2  }
0xbb: {  	s3 =	sand.u32 $0x4000, s31;
	s1 =	sadd.s32 s1, s30  }
0xbc: {  	s0 =	sor.u32 s3, s0;
	s1 =	sshll.u32 s1, $0x11  }
0xbd: {  	s0 =	sor.u32 s1, s0  }
0xbe: {  	s0 =	sadd.s32 $0x8F2B, s0  }
0xbf: {  	[sflag:s0] =	ssyncadd.remote.s32 $0x1  }
0xc0: {  	_ =	sfence.sel $0xFFFF  }
0xc1: {  	[dreg:$0x0] =	wrdreg $0xFFFFFFFF;
	(pc) =	sbr.abs _section_cstart, $3  }
0xc2: {  	[dreg:$0x1] =	wrdreg $0xFFFFFFFF  }
0xc3: {  	_ =	task.clear_ibuf [dreg:s8], $0x2FFFF;
	_ =	strace $0x9FFFFFFF  }
0xc4: {  	(tm) =	ssettm $0x7FFFFFFF  }
0xc5: {  	_ =	shalt  }
tec
execute0_lowered:
.L_overlay_start_1:
0x0: {  	(tag) =	ssettag $0x1  }
0x1: {  	s1 =	stileid.u32  }
0x2: {  	p0 =	sgt.u32 s1, $0xD  }
.Ltmp0:
0x3: {  	s4 =	rddreg [dreg:$0x0];
	(pc) =	sbr.rel @p0 .LBB2_5-.Ltmp0, $4  }
0x4: {  	s3 =	rddreg [dreg:$0x1]  }
0x5: {  	s6 =	rddreg [dreg:$0x2];
	s2 =	simm.s32 $0x0  }
0x6: {  	[smem:$0x7FF] =	sst s2  }
0x7: {  	s0 =	rddreg [dreg:$0x3];
	_ =	strace $0x80000047  }
0x8: {  	s5 =	srdreg.scid  }
0x9: {  	s7 =	sand.u32 $0x1, s5  }
0xa: {  	s5 =	sor.u32 s7, s1  }
0xb: {  	p1 =	seq.s32 s7, $0x1;
	p0 =	seq.s32 s5, $0x0  }
0xc: {  	s12 =	simm.s32 $0x2;
	p0 =	por !p0, !p1  }
0xd: {  	s13 =	simm.s32 $0x0;
	s5 =	simm.s32 $0x1;
	p0 =	por !p0, !p0  }
0xe: {  	s9 =	sshll.u32 s7, $0xA;
	s28 =	ssub.s32 $0x2, s7;
	s5 =	simm.s32 @!p0 $0x0  }
0xf: {  	s31 =	sshll.u32 s7, $0xD;
	s7 =	simm.s32 $0x80;
	s5 =	ssub.s32 s1, s5  }
0x10: {  	s9 =	sadd.s32 s9, s3;
	s3 =	simm.s32 $0x1;
	s8 =	sshrl.u32 s5, $0x3  }
0x11: {  	s11 =	sshrl.u32 s28, $0x1;
	s5 =	sshll.u32 s5, $0x7;
	s10 =	smul.u32 $0xC3800, s8  }
0x12: {  	s30 =	ssub.s32 s28, s11;
	s5 =	sand.u32 $0x380, s5;
	s8 =	sshll.u32 s8, $0x11  }
0x13: {  	s11 =	simm.s32 $0x1A700;
	s10 =	sor.u32 s5, s10;
	s5 =	sor.u32 s5, s8  }
0x14: {  	s8 =	simm.s32 $0x400;
	s10 =	sshrl.u32 s10, $0x3;
	s29 =	sshrl.u32 s5, $0x3  }
0x15: {  	s5 =	sadd.s32 $0x400, s9;
	s4 =	sadd.s32 s4, s10;
	s10 =	sadd.s32 s6, s29  }
0x16: {  	s9 =	simm.s32 $0x18700;
	s6 =	smax.u32 s30, $0x1;
	s10 =	sadd.s32 s31, s10  }
.LBB2_2:
0x17: {  	_ =	strace $0x80000048  }
0x18: {  	[tilespmem:s2], [sflag:$0x1] =	stream.strided.gather [hbm4b:s4+s7], $0x18700, s8, s7, $0x200038;
	[tilespmem:$0x1C700] =	vst v63  }
0x19: {  	_ = 	snop  }
0x1a: {  	[tilespmem:s9], [sflag:$0x1] =	stream.linear.gather [hbm4b:s5+s2], $0x2000, $0x200038;
	[tilespmem:$0x1C700] =	vst v63  }
0x1b: {  	_ =	swait.ge [sflag:s3], $0x18700  }
0x1c: {  	[sflag:s3] =	ssyncset.done $0x0  }
0x1d: {  	[sflag:s3] =	ssyncadd.s32 $0xFFFE7900  }
0x1e: {  	_ =	swait.ge [sflag:s3], $0x2000  }
0x1f: {  	[sflag:s3] =	ssyncset.done $0x0  }
0x20: {  	[sflag:s3] =	ssyncadd.s32 $0xFFFFE000  }
0x21: {  	_ =	strace $0x90000048  }
0x22: {  	s14 =	simm.s32 $0x18740;
	_ =	strace $0x80000049  }
0x23: {  	v0 =	vld [tilespmem:s14+$0x30]  }
0x24: {  	v1 =	vld [tilespmem:s14+$0xFFFFFFD0]  }
0x25: {  	v2 =	vld [tilespmem:s14+$0xFFFFFFE0]  }
0x26: {  	v3 =	vld [tilespmem:s14+$0xFFFFFFF0]  }
0x27: {  	v4 =	vld [tilespmem:s14+$0x0]  }
0x28: {  	v6 =	vld [tilespmem:s14+$0x10]  }
0x29: {  	v7 =	vld [tilespmem:s14+$0x20]  }
0x2a: {  	v8 =	vld [tilespmem:s14+$0xFFFFFFC0]  }
0x2b: {  	v9 =	vld.idx.msk [tilespmem:v0+s2+$0x0], $0xffff  }
0x2c: {  	v10 =	vld.idx.msk [tilespmem:v1+s2+$0x0], $0xffff  }
0x2d: {  	v5 =	vld.idx.msk [tilespmem:v2+s2+$0x0], $0xffff  }
0x2e: {  	v3 =	vld.idx.msk [tilespmem:v3+s2+$0x0], $0xffff  }
0x2f: {  	v0 =	vld.idx.msk [tilespmem:v4+s2+$0x0], $0xffff  }
0x30: {  	s14 =	simm.s32 $0x1A740;
	v1 =	vld.idx.msk [tilespmem:v6+s2+$0x0], $0xffff  }
0x31: {  	v2 =	vld.idx.msk [tilespmem:v7+s2+$0x0], $0xffff;
	[tilespmem:s14+$0x30] =	vst v9  }
0x32: {  	s15 =	simm.s32 $0x0;
	s16 =	simm.s32 $0x187C0;
	v4 =	vld.idx.msk [tilespmem:v8+s2+$0x0], $0xffff;
	[tilespmem:s14+$0xFFFFFFD0] =	vst v10  }
.LBB2_3:
0x33: {  	v6 =	vld [tilespmem:s16+$0x30];
	s15 =	sadd.s32 $0x80, s15;
	[tilespmem:s14+$0xFFFFFFE0] =	vst v5  }
0x34: {  	v5 =	vld [tilespmem:s16+$0xFFFFFFD0];
	p0 =	slt.u32 s15, $0x1F80;
	[tilespmem:s14+$0xFFFFFFF0] =	vst v3  }
0x35: {  	v3 =	vld [tilespmem:s16+$0xFFFFFFE0];
	[tilespmem:s14+$0x0] =	vst v0  }
0x36: {  	v0 =	vld [tilespmem:s16+$0xFFFFFFF0];
	[tilespmem:s14+$0x10] =	vst v1  }
0x37: {  	v1 =	vld [tilespmem:s16+$0x0];
	[tilespmem:s14+$0x20] =	vst v2  }
0x38: {  	v2 =	vld [tilespmem:s16+$0x10];
	[tilespmem:s14+$0xFFFFFFC0] =	vst v4  }
0x39: {  	v4 =	vld [tilespmem:s16+$0x20]  }
0x3a: {  	v7 =	vld [tilespmem:s16+$0xFFFFFFC0]  }
0x3b: {  	v6 =	vld.idx.msk [tilespmem:v6+s2+$0x0], $0xffff  }
0x3c: {  	v8 =	vld.idx.msk [tilespmem:v5+s2+$0x0], $0xffff  }
0x3d: {  	v5 =	vld.idx.msk [tilespmem:v3+s2+$0x0], $0xffff  }
.Ltmp1:
0x3e: {  	v3 =	vld.idx.msk [tilespmem:v0+s2+$0x0], $0xffff;
	(pc) =	sbr.rel @p0 .LBB2_3-.Ltmp1, $4  }
0x3f: {  	v0 =	vld.idx.msk [tilespmem:v1+s2+$0x0], $0xffff  }
0x40: {  	s14 =	sadd.s32 $0x80, s14;
	v1 =	vld.idx.msk [tilespmem:v2+s2+$0x0], $0xffff  }
0x41: {  	v2 =	vld.idx.msk [tilespmem:v4+s2+$0x0], $0xffff;
	[tilespmem:s14+$0x30] =	vst v6  }
0x42: {  	s16 =	sadd.s32 $0x80, s16;
	v4 =	vld.idx.msk [tilespmem:v7+s2+$0x0], $0xffff;
	[tilespmem:s14+$0xFFFFFFD0] =	vst v8  }
0x43: {  	[tilespmem:s14+$0xFFFFFFE0] =	vst v5  }
0x44: {  	[tilespmem:s14+$0xFFFFFFF0] =	vst v3  }
0x45: {  	[tilespmem:s14+$0x0] =	vst v0  }
0x46: {  	[tilespmem:s14+$0x10] =	vst v1  }
0x47: {  	[tilespmem:s14+$0x20] =	vst v2  }
0x48: {  	[tilespmem:s14+$0xFFFFFFC0] =	vst v4  }
0x49: {  	s13 =	sadd.s32 $0x1, s13;
	_ =	strace $0x90000049  }
0x4a: {  	p0 =	sne.s32 s13, s6;
	_ =	strace $0x8000004A  }
0x4b: {  	[hbm4b:s10+s7] =	stream.strided.scatter [tilespmem:s11], [sflag:$0x2], $0x2000, s8, s7, $0x200038;
	[tilespmem:$0x1C700] =	vst v63  }
.Ltmp2:
0x4c: {  	_ = 	snop;
	(pc) =	sbr.rel @p0 .LBB2_2-.Ltmp2, $4  }
0x4d: {  	_ =	swait.ge [sflag:s12], $0x2000  }
0x4e: {  	[sflag:s12] =	ssyncset.done $0x0  }
0x4f: {  	[sflag:s12] =	ssyncadd.s32 $0xFFFFE000  }
0x50: {  	_ =	strace $0x9000004A  }
.LBB2_5:
0x51: {  	_ =	sfence.sel $0x180000  }
0x52: {  	[bflag:$0x0] =	sbarrier.arrive $0xFFFF  }
0x53: {  	p0 =	sne.s32 s1, $0x0;
	_ =	strace $0x90000047  }
0x54: {  	s0 =	sadd.s32 @!p0 $0x100000, s0;
	[bflag:$0x2] =	sbarrier.arrive $0xFFFF  }
0x55: {  	[sflag:s0] =	ssyncadd.tile.s32 @!p0 $0x1;
	_ =	shalt  }
.Lfunc_end2:
_tile_overlayer_lowered:
.L_overlay_start_2:
0x56: {  	(tag) =	ssettag $0x2  }
0x57: {  	s0 =	rddreg [dreg:$0x0];
	s2 =	stileid.u32  }
0x58: {  	s1 =	rddreg [dreg:$0x1];
	p0 =	sne.s32 s2, $0x0  }
0x59: {  	s3 =	rddreg [dreg:$0x2];
	[bflag:$0x3] =	sbarrier.arrive $0xFFFF;
	s2 =	simm.s32 @!p0 $0x1C02  }
0x5a: {  	[timem:s3], [sflag:s2] =	dma.local @!p0 [hbm:s0], s1  }
0x5b: {  	s0 =	simm.s32 @!p0 $0x2  }
0x5c: {  	_ =	swait.ge @!p0 [sflag:s0], s1  }
0x5d: {  	s1 =	ssub.s32 @!p0 $0x0, s1;
	[sflag:s0] =	ssyncset.done @!p0 $0x0  }
0x5e: {  	[sflag:s0] =	ssyncadd.s32 @!p0 s1  }
0x5f: {  	[bflag:$0x3] =	sbarrier.arrive $0xFFFF  }
0x60: {  	_ =	shalt  }

</sc_bundles>
